<compile_context>
chip_gen: v7x
topology: tpu7x:2x2x1
jax: 0.10.2.dev20260603
libtpu: 0.0.44.dev20260713+nightly
codegen_flags: <defaults>
</compile_context>

<pallas_src>
import jax
import jax.numpy as jnp
from jax import lax
from jax.experimental import pallas as pl
from jax.experimental.pallas import tpu as pltpu
from jax.experimental.pallas import tpu_sc as plsc

SEQ_LEN = 200
EMB_DIM = 128
LANES = 16
ROWS = 16
HALF = ROWS // 2
TAIL_TILE = 12
TAIL_BASE = SEQ_LEN - ROWS
ACTIVE_TILES = 13
CHUNKS = EMB_DIM // LANES

_mesh = plsc.VectorSubcoreMesh(
    core_axis_name="c", subcore_axis_name="s", num_cores=1
)


def _sc_body(idx_hbm, table_hbm, f_hbm, out_hbm,
             idx_v, rows_v, f_v, part_v, red_v, shared,
             sem_i, sem_f, sem_g):
    sid = lax.axis_index("s")
    base = jnp.where(sid < TAIL_TILE, sid * ROWS,
                     jnp.where(sid == TAIL_TILE, TAIL_BASE, 0))

    @pl.when(sid < ACTIVE_TILES)
    def _():
        cp_i = pltpu.async_copy(idx_hbm.at[pl.ds(base, ROWS)], idx_v, sem_i)
        cp_f = pltpu.async_copy(f_hbm.at[pl.ds(base, ROWS)], f_v, sem_f)
        cp_i.wait()
        cp_g = pltpu.async_copy(table_hbm.at[idx_v], rows_v, sem_g)
        cp_f.wait()
        cp_g.wait()

        def fma_row(r, accs):
            out = []
            for c in range(CHUNKS):
                col = pl.ds(c * LANES, LANES)
                out.append(accs[c] + rows_v[r, col] * f_v[r, col])
            return tuple(out)

        lo = jnp.where(sid == TAIL_TILE, HALF, 0)
        zero16 = jnp.zeros((LANES,), jnp.float32)
        accs = lax.fori_loop(lo, ROWS, fma_row, (zero16,) * CHUNKS)
        for c in range(CHUNKS):
            part_v[0, pl.ds(c * LANES, LANES)] = accs[c]
        pltpu.sync_copy(part_v, shared.at[pl.ds(sid, 1)])

    plsc.subcore_barrier()

    @pl.when(sid == 0)
    def _():
        pltpu.sync_copy(shared, red_v)

        def red_row(t, accs):
            out = []
            for c in range(CHUNKS):
                col = pl.ds(c * LANES, LANES)
                out.append(accs[c] + red_v[t, col])
            return tuple(out)

        first = tuple(red_v[0, pl.ds(c * LANES, LANES)] for c in range(CHUNKS))
        accs = lax.fori_loop(1, ACTIVE_TILES, red_row, first)
        for c in range(CHUNKS):
            part_v[0, pl.ds(c * LANES, LANES)] = accs[c]
        pltpu.sync_copy(part_v, out_hbm)


_sc_call = pl.kernel(
    _sc_body,
    out_type=jax.ShapeDtypeStruct((1, EMB_DIM), jnp.float32),
    mesh=_mesh,
    scratch_types=[
        pltpu.VMEM((ROWS,), jnp.int32),
        pltpu.VMEM((ROWS, EMB_DIM), jnp.float32),
        pltpu.VMEM((ROWS, EMB_DIM), jnp.float32),
        pltpu.VMEM((1, EMB_DIM), jnp.float32),
        pltpu.VMEM((ACTIVE_TILES, EMB_DIM), jnp.float32),
        pltpu.VMEM_SHARED((ACTIVE_TILES, EMB_DIM), jnp.float32),
        pltpu.SemaphoreType.DMA,
        pltpu.SemaphoreType.DMA,
        pltpu.SemaphoreType.DMA,
    ],
)


def kernel(input_sequence, emb_table, f):
    return _sc_call(input_sequence.astype(jnp.int32), emb_table, f)

# --- scband reference (transcript-rebuilt; emitter-appended) ---
"""Pipeline reference for scband-input-encoder-30339648979180 (READ-ONLY COPY).

The authoritative reference and input builder live on the scoring server;
editing this copy changes nothing except your own understanding.
"""

import jax, jax.numpy as jnp
import numpy as np

VOCAB = 100000
EMB_DIM = 128
SEQ_LEN = 200

def setup_inputs(seed: int = 0) -> dict:
    key = jax.random.key(seed)
    k1, k2, k3 = jax.random.split(key, 3)
    input_sequence = jax.random.randint(k1, (SEQ_LEN,), 0, VOCAB, dtype=jnp.int64 if jax.config.jax_enable_x64 else jnp.int32)
    # nn.Embedding default init: N(0, 1)
    emb_table = jax.random.normal(k2, (VOCAB, EMB_DIM), dtype=jnp.float32)
    # xavier_normal_ on f: std = sqrt(2/(fan_in+fan_out)) = sqrt(2/(SEQ_LEN+EMB_DIM))
    std = float(np.sqrt(2.0 / (SEQ_LEN + EMB_DIM)))
    f = jax.random.normal(k3, (SEQ_LEN, EMB_DIM), dtype=jnp.float32) * std
    return {"input_sequence": input_sequence, "emb_table": emb_table, "f": f}

def reference(input_sequence, emb_table, f):
    # e = embedding lookup -> [SEQ_LEN, EMB_DIM]
    e = jnp.take(emb_table, input_sequence, axis=0)
    s = f * e
    s = s.sum(0)
    return s.reshape(1, -1)

if __name__ == "__main__":
    import jax
    _d = setup_inputs()
    print(jax.jit(kernel)(*tuple(_d.values())))

</pallas_src>

<mosaic_0001>
#map = affine_map<(d0, d1) -> (0)>
#map1 = affine_map<(d0, d1) -> (0, 0)>
module attributes {stable_mosaic.version = 14 : i64} {
  func.func @_sc_body(%arg0: i32, %arg1: i32, %arg2: memref<200xi32, #tpu.memory_space<hbm>>, %arg3: memref<100000x128xf32, #tpu.memory_space<hbm>>, %arg4: memref<200x128xf32, #tpu.memory_space<hbm>>, %arg5: memref<1x128xf32, #tpu.memory_space<hbm>>, %arg6: memref<16xi32, #tpu.memory_space<vmem>>, %arg7: memref<16x128xf32, #tpu.memory_space<vmem>>, %arg8: memref<16x128xf32, #tpu.memory_space<vmem>>, %arg9: memref<1x128xf32, #tpu.memory_space<vmem>>, %arg10: memref<13x128xf32, #tpu.memory_space<vmem>>, %arg11: memref<13x128xf32, #tpu.memory_space<vmem_shared>>, %arg12: memref<!tpu.dma_semaphore, #tpu.memory_space<semaphore_mem>>, %arg13: memref<!tpu.dma_semaphore, #tpu.memory_space<semaphore_mem>>, %arg14: memref<!tpu.dma_semaphore, #tpu.memory_space<semaphore_mem>>) attributes {dimension_semantics = [#tpu.dimension_semantics<core_parallel>, #tpu.dimension_semantics<subcore_parallel>], iteration_bounds = array<i64: 1, 16>, scalar_prefetch = 0 : i64, scratch_operands = 9 : i64, tpu.core_type = #tpu.core_type<sc_vector_subcore>, window_params = [{transform_indices = #map}, {transform_indices = #map1}, {transform_indices = #map1}, {transform_indices = #map1}]} {
    %lt3A = arith.constant 12 : i32
    %lt3A_0 = arith.cmpi slt, %arg1, %lt3A : i32
    %mul3A = arith.constant 16 : i32
    %mul3A_1 = arith.muli %arg1, %mul3A : i32
    %eq3A = arith.constant 12 : i32
    %eq3A_2 = arith.cmpi eq, %arg1, %eq3A : i32
    %jit3A = arith.constant 184 : i32
    %jit3A_3 = arith.constant 0 : i32
    %select_n3A = arith.select %eq3A_2, %jit3A, %jit3A_3 : i32
    %select_n3A_4 = arith.select %lt3A_0, %mul3A_1, %select_n3A : i32
    %lt3A_5 = arith.constant 13 : i32
    %lt3A_6 = arith.cmpi slt, %arg1, %lt3A_5 : i32
    %convert_element_type3A = arith.extui %lt3A_6 : i1 to i32
    %cond3A = arith.constant 0 : i32
    %cond3A_7 = arith.cmpi ne, %convert_element_type3A, %cond3A : i32
    scf.if %cond3A_7 {
      %dma_start3A = tpu.memref_slice %arg2[%select_n3A_4] : memref<200xi32, #tpu.memory_space<hbm>> -> memref<16xi32, #tpu.memory_space<hbm>>
      %dma_start3A_13 = tpu.memref_slice %arg2[%select_n3A_4] : memref<200xi32, #tpu.memory_space<hbm>> -> memref<16xi32, #tpu.memory_space<hbm>>
      tpu.enqueue_dma source(%dma_start3A_13 : memref<16xi32, #tpu.memory_space<hbm>>) target(%arg6 : memref<16xi32, #tpu.memory_space<vmem>>) target_semaphore(%arg12 : memref<!tpu.dma_semaphore, #tpu.memory_space<semaphore_mem>>)
      %dma_start3A_14 = arith.constant 0 : i32
      %dma_start3A_15 = tpu.memref_slice %arg4[%select_n3A_4, %dma_start3A_14] : memref<200x128xf32, #tpu.memory_space<hbm>> -> memref<16x128xf32, #tpu.memory_space<hbm>>
      %dma_start3A_16 = arith.constant 0 : i32
      %dma_start3A_17 = tpu.memref_slice %arg4[%select_n3A_4, %dma_start3A_16] : memref<200x128xf32, #tpu.memory_space<hbm>> -> memref<16x128xf32, #tpu.memory_space<hbm>>
      tpu.enqueue_dma source(%dma_start3A_17 : memref<16x128xf32, #tpu.memory_space<hbm>>) target(%arg8 : memref<16x128xf32, #tpu.memory_space<vmem>>) target_semaphore(%arg13 : memref<!tpu.dma_semaphore, #tpu.memory_space<semaphore_mem>>)
      %dma_wait3A = tpu.memref_slice %arg2[%select_n3A_4] : memref<200xi32, #tpu.memory_space<hbm>> -> memref<16xi32, #tpu.memory_space<hbm>>
      %dma_wait3A_18 = tpu.memref_slice %arg2[%select_n3A_4] : memref<200xi32, #tpu.memory_space<hbm>> -> memref<16xi32, #tpu.memory_space<hbm>>
      tpu.wait_dma2 semaphore(%arg12 : memref<!tpu.dma_semaphore, #tpu.memory_space<semaphore_mem>>) src(%dma_wait3A_18 : memref<16xi32, #tpu.memory_space<hbm>>) dst(%arg6 : memref<16xi32, #tpu.memory_space<vmem>>)
      %dma_start3A_19 = arith.constant 0 : i32
      %dma_start3A_20 = arith.constant 0 : i32
      %dma_start3A_21 = tpu.memref_slice %arg3[%dma_start3A_19, %dma_start3A_20] : memref<100000x128xf32, #tpu.memory_space<hbm>> -> memref<100000x128xf32, #tpu.memory_space<hbm>>
      tpu.enqueue_indirect_dma source(%dma_start3A_21 : memref<100000x128xf32, #tpu.memory_space<hbm>>) target(%arg7 : memref<16x128xf32, #tpu.memory_space<vmem>>) offsets(%arg6 : memref<16xi32, #tpu.memory_space<vmem>>) semaphore(%arg14 : memref<!tpu.dma_semaphore, #tpu.memory_space<semaphore_mem>>)
      %dma_wait3A_22 = arith.constant 0 : i32
      %dma_wait3A_23 = tpu.memref_slice %arg4[%select_n3A_4, %dma_wait3A_22] : memref<200x128xf32, #tpu.memory_space<hbm>> -> memref<16x128xf32, #tpu.memory_space<hbm>>
      %dma_wait3A_24 = arith.constant 0 : i32
      %dma_wait3A_25 = tpu.memref_slice %arg4[%select_n3A_4, %dma_wait3A_24] : memref<200x128xf32, #tpu.memory_space<hbm>> -> memref<16x128xf32, #tpu.memory_space<hbm>>
      tpu.wait_dma2 semaphore(%arg13 : memref<!tpu.dma_semaphore, #tpu.memory_space<semaphore_mem>>) src(%dma_wait3A_25 : memref<16x128xf32, #tpu.memory_space<hbm>>) dst(%arg8 : memref<16x128xf32, #tpu.memory_space<vmem>>)
      %dma_wait3A_26 = arith.constant 0 : i32
      %dma_wait3A_27 = arith.constant 0 : i32
      %dma_wait3A_28 = tpu.memref_slice %arg3[%dma_wait3A_26, %dma_wait3A_27] : memref<100000x128xf32, #tpu.memory_space<hbm>> -> memref<100000x128xf32, #tpu.memory_space<hbm>>
      tpu.wait_indirect_dma semaphore(%arg14 : memref<!tpu.dma_semaphore, #tpu.memory_space<semaphore_mem>>) src(%dma_wait3A_28 : memref<100000x128xf32, #tpu.memory_space<hbm>>) dst(%arg7 : memref<16x128xf32, #tpu.memory_space<vmem>>)
      %eq3A_29 = arith.constant 12 : i32
      %eq3A_30 = arith.cmpi eq, %arg1, %eq3A_29 : i32
      %jit3A_31 = arith.constant 8 : i32
      %jit3A_32 = arith.constant 0 : i32
      %select_n3A_33 = arith.select %eq3A_30, %jit3A_31, %jit3A_32 : i32
      %broadcast_in_dim3A = arith.constant 0.000000e+00 : f32
      %broadcast_in_dim3A_34 = vector.broadcast %broadcast_in_dim3A : f32 to vector<16xf32>
      %while3A = arith.constant 16 : i32
      %while3A_35 = arith.subi %while3A, %select_n3A_33 : i32
      %while3A_36 = arith.addi %select_n3A_33, %while3A_35 : i32
      %while3A_37 = arith.constant 1 : i32
      %while3A_38 = arith.divsi %while3A_35, %while3A_37 : i32
      %while3A_39 = arith.muli %while3A_38, %while3A_37 : i32
      %while3A_40 = arith.addi %select_n3A_33, %while3A_39 : i32
      %while3A_41 = arith.constant 1 : i32
      %while3A_42:8 = scf.for %while3A_92 = %select_n3A_33 to %while3A_40 step %while3A_41 iter_args(%while3A_93 = %broadcast_in_dim3A_34, %while3A_94 = %broadcast_in_dim3A_34, %while3A_95 = %broadcast_in_dim3A_34, %while3A_96 = %broadcast_in_dim3A_34, %while3A_97 = %broadcast_in_dim3A_34, %while3A_98 = %broadcast_in_dim3A_34, %while3A_99 = %broadcast_in_dim3A_34, %while3A_100 = %broadcast_in_dim3A_34) -> (vector<16xf32>, vector<16xf32>, vector<16xf32>, vector<16xf32>, vector<16xf32>, vector<16xf32>, vector<16xf32>, vector<16xf32>)  : i32 {
        %get3A = arith.index_cast %while3A_92 : i32 to index
        %get3A_101 = arith.constant 0 : index
        %get3A_102 = tpu.vector_load %arg7[%get3A, %get3A_101] {strides = array<i32>} : memref<16x128xf32, #tpu.memory_space<vmem>>, vector<1x16xf32>,
        %get3A_103 = vector.shape_cast %get3A_102 : vector<1x16xf32> to vector<16xf32>
        %get3A_104 = arith.index_cast %while3A_92 : i32 to index
        %get3A_105 = arith.constant 0 : index
        %get3A_106 = tpu.vector_load %arg8[%get3A_104, %get3A_105] {strides = array<i32>} : memref<16x128xf32, #tpu.memory_space<vmem>>, vector<1x16xf32>,
        %get3A_107 = vector.shape_cast %get3A_106 : vector<1x16xf32> to vector<16xf32>
        %mul3A_108 = arith.mulf %get3A_103, %get3A_107 : vector<16xf32>
        %add3A = arith.addf %while3A_93, %mul3A_108 : vector<16xf32>
        %get3A_109 = arith.index_cast %while3A_92 : i32 to index
        %get3A_110 = arith.constant 16 : index
        %get3A_111 = tpu.vector_load %arg7[%get3A_109, %get3A_110] {strides = array<i32>} : memref<16x128xf32, #tpu.memory_space<vmem>>, vector<1x16xf32>,
        %get3A_112 = vector.shape_cast %get3A_111 : vector<1x16xf32> to vector<16xf32>
        %get3A_113 = arith.index_cast %while3A_92 : i32 to index
        %get3A_114 = arith.constant 16 : index
        %get3A_115 = tpu.vector_load %arg8[%get3A_113, %get3A_114] {strides = array<i32>} : memref<16x128xf32, #tpu.memory_space<vmem>>, vector<1x16xf32>,
        %get3A_116 = vector.shape_cast %get3A_115 : vector<1x16xf32> to vector<16xf32>
        %mul3A_117 = arith.mulf %get3A_112, %get3A_116 : vector<16xf32>
        %add3A_118 = arith.addf %while3A_94, %mul3A_117 : vector<16xf32>
        %get3A_119 = arith.index_cast %while3A_92 : i32 to index
        %get3A_120 = arith.constant 32 : index
        %get3A_121 = tpu.vector_load %arg7[%get3A_119, %get3A_120] {strides = array<i32>} : memref<16x128xf32, #tpu.memory_space<vmem>>, vector<1x16xf32>,
        %get3A_122 = vector.shape_cast %get3A_121 : vector<1x16xf32> to vector<16xf32>
        %get3A_123 = arith.index_cast %while3A_92 : i32 to index
        %get3A_124 = arith.constant 32 : index
        %get3A_125 = tpu.vector_load %arg8[%get3A_123, %get3A_124] {strides = array<i32>} : memref<16x128xf32, #tpu.memory_space<vmem>>, vector<1x16xf32>,
        %get3A_126 = vector.shape_cast %get3A_125 : vector<1x16xf32> to vector<16xf32>
        %mul3A_127 = arith.mulf %get3A_122, %get3A_126 : vector<16xf32>
        %add3A_128 = arith.addf %while3A_95, %mul3A_127 : vector<16xf32>
        %get3A_129 = arith.index_cast %while3A_92 : i32 to index
        %get3A_130 = arith.constant 48 : index
        %get3A_131 = tpu.vector_load %arg7[%get3A_129, %get3A_130] {strides = array<i32>} : memref<16x128xf32, #tpu.memory_space<vmem>>, vector<1x16xf32>,
        %get3A_132 = vector.shape_cast %get3A_131 : vector<1x16xf32> to vector<16xf32>
        %get3A_133 = arith.index_cast %while3A_92 : i32 to index
        %get3A_134 = arith.constant 48 : index
        %get3A_135 = tpu.vector_load %arg8[%get3A_133, %get3A_134] {strides = array<i32>} : memref<16x128xf32, #tpu.memory_space<vmem>>, vector<1x16xf32>,
        %get3A_136 = vector.shape_cast %get3A_135 : vector<1x16xf32> to vector<16xf32>
        %mul3A_137 = arith.mulf %get3A_132, %get3A_136 : vector<16xf32>
        %add3A_138 = arith.addf %while3A_96, %mul3A_137 : vector<16xf32>
        %get3A_139 = arith.index_cast %while3A_92 : i32 to index
        %get3A_140 = arith.constant 64 : index
        %get3A_141 = tpu.vector_load %arg7[%get3A_139, %get3A_140] {strides = array<i32>} : memref<16x128xf32, #tpu.memory_space<vmem>>, vector<1x16xf32>,
        %get3A_142 = vector.shape_cast %get3A_141 : vector<1x16xf32> to vector<16xf32>
        %get3A_143 = arith.index_cast %while3A_92 : i32 to index
        %get3A_144 = arith.constant 64 : index
        %get3A_145 = tpu.vector_load %arg8[%get3A_143, %get3A_144] {strides = array<i32>} : memref<16x128xf32, #tpu.memory_space<vmem>>, vector<1x16xf32>,
        %get3A_146 = vector.shape_cast %get3A_145 : vector<1x16xf32> to vector<16xf32>
        %mul3A_147 = arith.mulf %get3A_142, %get3A_146 : vector<16xf32>
        %add3A_148 = arith.addf %while3A_97, %mul3A_147 : vector<16xf32>
        %get3A_149 = arith.index_cast %while3A_92 : i32 to index
        %get3A_150 = arith.constant 80 : index
        %get3A_151 = tpu.vector_load %arg7[%get3A_149, %get3A_150] {strides = array<i32>} : memref<16x128xf32, #tpu.memory_space<vmem>>, vector<1x16xf32>,
        %get3A_152 = vector.shape_cast %get3A_151 : vector<1x16xf32> to vector<16xf32>
        %get3A_153 = arith.index_cast %while3A_92 : i32 to index
        %get3A_154 = arith.constant 80 : index
        %get3A_155 = tpu.vector_load %arg8[%get3A_153, %get3A_154] {strides = array<i32>} : memref<16x128xf32, #tpu.memory_space<vmem>>, vector<1x16xf32>,
        %get3A_156 = vector.shape_cast %get3A_155 : vector<1x16xf32> to vector<16xf32>
        %mul3A_157 = arith.mulf %get3A_152, %get3A_156 : vector<16xf32>
        %add3A_158 = arith.addf %while3A_98, %mul3A_157 : vector<16xf32>
        %get3A_159 = arith.index_cast %while3A_92 : i32 to index
        %get3A_160 = arith.constant 96 : index
        %get3A_161 = tpu.vector_load %arg7[%get3A_159, %get3A_160] {strides = array<i32>} : memref<16x128xf32, #tpu.memory_space<vmem>>, vector<1x16xf32>,
        %get3A_162 = vector.shape_cast %get3A_161 : vector<1x16xf32> to vector<16xf32>
        %get3A_163 = arith.index_cast %while3A_92 : i32 to index
        %get3A_164 = arith.constant 96 : index
        %get3A_165 = tpu.vector_load %arg8[%get3A_163, %get3A_164] {strides = array<i32>} : memref<16x128xf32, #tpu.memory_space<vmem>>, vector<1x16xf32>,
        %get3A_166 = vector.shape_cast %get3A_165 : vector<1x16xf32> to vector<16xf32>
        %mul3A_167 = arith.mulf %get3A_162, %get3A_166 : vector<16xf32>
        %add3A_168 = arith.addf %while3A_99, %mul3A_167 : vector<16xf32>
        %get3A_169 = arith.index_cast %while3A_92 : i32 to index
        %get3A_170 = arith.constant 112 : index
        %get3A_171 = tpu.vector_load %arg7[%get3A_169, %get3A_170] {strides = array<i32>} : memref<16x128xf32, #tpu.memory_space<vmem>>, vector<1x16xf32>,
        %get3A_172 = vector.shape_cast %get3A_171 : vector<1x16xf32> to vector<16xf32>
        %get3A_173 = arith.index_cast %while3A_92 : i32 to index
        %get3A_174 = arith.constant 112 : index
        %get3A_175 = tpu.vector_load %arg8[%get3A_173, %get3A_174] {strides = array<i32>} : memref<16x128xf32, #tpu.memory_space<vmem>>, vector<1x16xf32>,
        %get3A_176 = vector.shape_cast %get3A_175 : vector<1x16xf32> to vector<16xf32>
        %mul3A_177 = arith.mulf %get3A_172, %get3A_176 : vector<16xf32>
        %add3A_178 = arith.addf %while3A_100, %mul3A_177 : vector<16xf32>
        scf.yield %add3A, %add3A_118, %add3A_128, %add3A_138, %add3A_148, %add3A_158, %add3A_168, %add3A_178 : vector<16xf32>, vector<16xf32>, vector<16xf32>, vector<16xf32>, vector<16xf32>, vector<16xf32>, vector<16xf32>, vector<16xf32>
      }
      %while3A_43 = arith.constant 1 : i32
      %while3A_44:8 = scf.for %while3A_92 = %while3A_40 to %while3A_36 step %while3A_43 iter_args(%while3A_93 = %while3A_42#0, %while3A_94 = %while3A_42#1, %while3A_95 = %while3A_42#2, %while3A_96 = %while3A_42#3, %while3A_97 = %while3A_42#4, %while3A_98 = %while3A_42#5, %while3A_99 = %while3A_42#6, %while3A_100 = %while3A_42#7) -> (vector<16xf32>, vector<16xf32>, vector<16xf32>, vector<16xf32>, vector<16xf32>, vector<16xf32>, vector<16xf32>, vector<16xf32>)  : i32 {
        %get3A = arith.index_cast %while3A_92 : i32 to index
        %get3A_101 = arith.constant 0 : index
        %get3A_102 = tpu.vector_load %arg7[%get3A, %get3A_101] {strides = array<i32>} : memref<16x128xf32, #tpu.memory_space<vmem>>, vector<1x16xf32>,
        %get3A_103 = vector.shape_cast %get3A_102 : vector<1x16xf32> to vector<16xf32>
        %get3A_104 = arith.index_cast %while3A_92 : i32 to index
        %get3A_105 = arith.constant 0 : index
        %get3A_106 = tpu.vector_load %arg8[%get3A_104, %get3A_105] {strides = array<i32>} : memref<16x128xf32, #tpu.memory_space<vmem>>, vector<1x16xf32>,
        %get3A_107 = vector.shape_cast %get3A_106 : vector<1x16xf32> to vector<16xf32>
        %mul3A_108 = arith.mulf %get3A_103, %get3A_107 : vector<16xf32>
        %add3A = arith.addf %while3A_93, %mul3A_108 : vector<16xf32>
        %get3A_109 = arith.index_cast %while3A_92 : i32 to index
        %get3A_110 = arith.constant 16 : index
        %get3A_111 = tpu.vector_load %arg7[%get3A_109, %get3A_110] {strides = array<i32>} : memref<16x128xf32, #tpu.memory_space<vmem>>, vector<1x16xf32>,
        %get3A_112 = vector.shape_cast %get3A_111 : vector<1x16xf32> to vector<16xf32>
        %get3A_113 = arith.index_cast %while3A_92 : i32 to index
        %get3A_114 = arith.constant 16 : index
        %get3A_115 = tpu.vector_load %arg8[%get3A_113, %get3A_114] {strides = array<i32>} : memref<16x128xf32, #tpu.memory_space<vmem>>, vector<1x16xf32>,
        %get3A_116 = vector.shape_cast %get3A_115 : vector<1x16xf32> to vector<16xf32>
        %mul3A_117 = arith.mulf %get3A_112, %get3A_116 : vector<16xf32>
        %add3A_118 = arith.addf %while3A_94, %mul3A_117 : vector<16xf32>
        %get3A_119 = arith.index_cast %while3A_92 : i32 to index
        %get3A_120 = arith.constant 32 : index
        %get3A_121 = tpu.vector_load %arg7[%get3A_119, %get3A_120] {strides = array<i32>} : memref<16x128xf32, #tpu.memory_space<vmem>>, vector<1x16xf32>,
        %get3A_122 = vector.shape_cast %get3A_121 : vector<1x16xf32> to vector<16xf32>
        %get3A_123 = arith.index_cast %while3A_92 : i32 to index
        %get3A_124 = arith.constant 32 : index
        %get3A_125 = tpu.vector_load %arg8[%get3A_123, %get3A_124] {strides = array<i32>} : memref<16x128xf32, #tpu.memory_space<vmem>>, vector<1x16xf32>,
        %get3A_126 = vector.shape_cast %get3A_125 : vector<1x16xf32> to vector<16xf32>
        %mul3A_127 = arith.mulf %get3A_122, %get3A_126 : vector<16xf32>
        %add3A_128 = arith.addf %while3A_95, %mul3A_127 : vector<16xf32>
        %get3A_129 = arith.index_cast %while3A_92 : i32 to index
        %get3A_130 = arith.constant 48 : index
        %get3A_131 = tpu.vector_load %arg7[%get3A_129, %get3A_130] {strides = array<i32>} : memref<16x128xf32, #tpu.memory_space<vmem>>, vector<1x16xf32>,
        %get3A_132 = vector.shape_cast %get3A_131 : vector<1x16xf32> to vector<16xf32>
        %get3A_133 = arith.index_cast %while3A_92 : i32 to index
        %get3A_134 = arith.constant 48 : index
        %get3A_135 = tpu.vector_load %arg8[%get3A_133, %get3A_134] {strides = array<i32>} : memref<16x128xf32, #tpu.memory_space<vmem>>, vector<1x16xf32>,
        %get3A_136 = vector.shape_cast %get3A_135 : vector<1x16xf32> to vector<16xf32>
        %mul3A_137 = arith.mulf %get3A_132, %get3A_136 : vector<16xf32>
        %add3A_138 = arith.addf %while3A_96, %mul3A_137 : vector<16xf32>
        %get3A_139 = arith.index_cast %while3A_92 : i32 to index
        %get3A_140 = arith.constant 64 : index
        %get3A_141 = tpu.vector_load %arg7[%get3A_139, %get3A_140] {strides = array<i32>} : memref<16x128xf32, #tpu.memory_space<vmem>>, vector<1x16xf32>,
        %get3A_142 = vector.shape_cast %get3A_141 : vector<1x16xf32> to vector<16xf32>
        %get3A_143 = arith.index_cast %while3A_92 : i32 to index
        %get3A_144 = arith.constant 64 : index
        %get3A_145 = tpu.vector_load %arg8[%get3A_143, %get3A_144] {strides = array<i32>} : memref<16x128xf32, #tpu.memory_space<vmem>>, vector<1x16xf32>,
        %get3A_146 = vector.shape_cast %get3A_145 : vector<1x16xf32> to vector<16xf32>
        %mul3A_147 = arith.mulf %get3A_142, %get3A_146 : vector<16xf32>
        %add3A_148 = arith.addf %while3A_97, %mul3A_147 : vector<16xf32>
        %get3A_149 = arith.index_cast %while3A_92 : i32 to index
        %get3A_150 = arith.constant 80 : index
        %get3A_151 = tpu.vector_load %arg7[%get3A_149, %get3A_150] {strides = array<i32>} : memref<16x128xf32, #tpu.memory_space<vmem>>, vector<1x16xf32>,
        %get3A_152 = vector.shape_cast %get3A_151 : vector<1x16xf32> to vector<16xf32>
        %get3A_153 = arith.index_cast %while3A_92 : i32 to index
        %get3A_154 = arith.constant 80 : index
        %get3A_155 = tpu.vector_load %arg8[%get3A_153, %get3A_154] {strides = array<i32>} : memref<16x128xf32, #tpu.memory_space<vmem>>, vector<1x16xf32>,
        %get3A_156 = vector.shape_cast %get3A_155 : vector<1x16xf32> to vector<16xf32>
        %mul3A_157 = arith.mulf %get3A_152, %get3A_156 : vector<16xf32>
        %add3A_158 = arith.addf %while3A_98, %mul3A_157 : vector<16xf32>
        %get3A_159 = arith.index_cast %while3A_92 : i32 to index
        %get3A_160 = arith.constant 96 : index
        %get3A_161 = tpu.vector_load %arg7[%get3A_159, %get3A_160] {strides = array<i32>} : memref<16x128xf32, #tpu.memory_space<vmem>>, vector<1x16xf32>,
        %get3A_162 = vector.shape_cast %get3A_161 : vector<1x16xf32> to vector<16xf32>
        %get3A_163 = arith.index_cast %while3A_92 : i32 to index
        %get3A_164 = arith.constant 96 : index
        %get3A_165 = tpu.vector_load %arg8[%get3A_163, %get3A_164] {strides = array<i32>} : memref<16x128xf32, #tpu.memory_space<vmem>>, vector<1x16xf32>,
        %get3A_166 = vector.shape_cast %get3A_165 : vector<1x16xf32> to vector<16xf32>
        %mul3A_167 = arith.mulf %get3A_162, %get3A_166 : vector<16xf32>
        %add3A_168 = arith.addf %while3A_99, %mul3A_167 : vector<16xf32>
        %get3A_169 = arith.index_cast %while3A_92 : i32 to index
        %get3A_170 = arith.constant 112 : index
        %get3A_171 = tpu.vector_load %arg7[%get3A_169, %get3A_170] {strides = array<i32>} : memref<16x128xf32, #tpu.memory_space<vmem>>, vector<1x16xf32>,
        %get3A_172 = vector.shape_cast %get3A_171 : vector<1x16xf32> to vector<16xf32>
        %get3A_173 = arith.index_cast %while3A_92 : i32 to index
        %get3A_174 = arith.constant 112 : index
        %get3A_175 = tpu.vector_load %arg8[%get3A_173, %get3A_174] {strides = array<i32>} : memref<16x128xf32, #tpu.memory_space<vmem>>, vector<1x16xf32>,
        %get3A_176 = vector.shape_cast %get3A_175 : vector<1x16xf32> to vector<16xf32>
        %mul3A_177 = arith.mulf %get3A_172, %get3A_176 : vector<16xf32>
        %add3A_178 = arith.addf %while3A_100, %mul3A_177 : vector<16xf32>
        scf.yield %add3A, %add3A_118, %add3A_128, %add3A_138, %add3A_148, %add3A_158, %add3A_168, %add3A_178 : vector<16xf32>, vector<16xf32>, vector<16xf32>, vector<16xf32>, vector<16xf32>, vector<16xf32>, vector<16xf32>, vector<16xf32>
      }
      %swap3A = arith.constant 0 : i32
      %swap3A_45 = arith.index_cast %swap3A : i32 to index
      %swap3A_46 = arith.constant 0 : index
      %swap3A_47 = tpu.vector_load %arg9[%swap3A_45, %swap3A_46] {strides = array<i32>} : memref<1x128xf32, #tpu.memory_space<vmem>>, vector<1x16xf32>,
      %swap3A_48 = vector.shape_cast %swap3A_47 : vector<1x16xf32> to vector<16xf32>
      %swap3A_49 = vector.shape_cast %while3A_44#0 : vector<16xf32> to vector<1x16xf32>
      tpu.vector_store %arg9[%swap3A_45, %swap3A_46], %swap3A_49 {strides = array<i32>} : memref<1x128xf32, #tpu.memory_space<vmem>>, vector<1x16xf32>,
      %swap3A_50 = arith.constant 0 : i32
      %swap3A_51 = arith.index_cast %swap3A_50 : i32 to index
      %swap3A_52 = arith.constant 16 : index
      %swap3A_53 = tpu.vector_load %arg9[%swap3A_51, %swap3A_52] {strides = array<i32>} : memref<1x128xf32, #tpu.memory_space<vmem>>, vector<1x16xf32>,
      %swap3A_54 = vector.shape_cast %swap3A_53 : vector<1x16xf32> to vector<16xf32>
      %swap3A_55 = vector.shape_cast %while3A_44#1 : vector<16xf32> to vector<1x16xf32>
      tpu.vector_store %arg9[%swap3A_51, %swap3A_52], %swap3A_55 {strides = array<i32>} : memref<1x128xf32, #tpu.memory_space<vmem>>, vector<1x16xf32>,
      %swap3A_56 = arith.constant 0 : i32
      %swap3A_57 = arith.index_cast %swap3A_56 : i32 to index
      %swap3A_58 = arith.constant 32 : index
      %swap3A_59 = tpu.vector_load %arg9[%swap3A_57, %swap3A_58] {strides = array<i32>} : memref<1x128xf32, #tpu.memory_space<vmem>>, vector<1x16xf32>,
      %swap3A_60 = vector.shape_cast %swap3A_59 : vector<1x16xf32> to vector<16xf32>
      %swap3A_61 = vector.shape_cast %while3A_44#2 : vector<16xf32> to vector<1x16xf32>
      tpu.vector_store %arg9[%swap3A_57, %swap3A_58], %swap3A_61 {strides = array<i32>} : memref<1x128xf32, #tpu.memory_space<vmem>>, vector<1x16xf32>,
      %swap3A_62 = arith.constant 0 : i32
      %swap3A_63 = arith.index_cast %swap3A_62 : i32 to index
      %swap3A_64 = arith.constant 48 : index
      %swap3A_65 = tpu.vector_load %arg9[%swap3A_63, %swap3A_64] {strides = array<i32>} : memref<1x128xf32, #tpu.memory_space<vmem>>, vector<1x16xf32>,
      %swap3A_66 = vector.shape_cast %swap3A_65 : vector<1x16xf32> to vector<16xf32>
      %swap3A_67 = vector.shape_cast %while3A_44#3 : vector<16xf32> to vector<1x16xf32>
      tpu.vector_store %arg9[%swap3A_63, %swap3A_64], %swap3A_67 {strides = array<i32>} : memref<1x128xf32, #tpu.memory_space<vmem>>, vector<1x16xf32>,
      %swap3A_68 = arith.constant 0 : i32
      %swap3A_69 = arith.index_cast %swap3A_68 : i32 to index
      %swap3A_70 = arith.constant 64 : index
      %swap3A_71 = tpu.vector_load %arg9[%swap3A_69, %swap3A_70] {strides = array<i32>} : memref<1x128xf32, #tpu.memory_space<vmem>>, vector<1x16xf32>,
      %swap3A_72 = vector.shape_cast %swap3A_71 : vector<1x16xf32> to vector<16xf32>
      %swap3A_73 = vector.shape_cast %while3A_44#4 : vector<16xf32> to vector<1x16xf32>
      tpu.vector_store %arg9[%swap3A_69, %swap3A_70], %swap3A_73 {strides = array<i32>} : memref<1x128xf32, #tpu.memory_space<vmem>>, vector<1x16xf32>,
      %swap3A_74 = arith.constant 0 : i32
      %swap3A_75 = arith.index_cast %swap3A_74 : i32 to index
      %swap3A_76 = arith.constant 80 : index
      %swap3A_77 = tpu.vector_load %arg9[%swap3A_75, %swap3A_76] {strides = array<i32>} : memref<1x128xf32, #tpu.memory_space<vmem>>, vector<1x16xf32>,
      %swap3A_78 = vector.shape_cast %swap3A_77 : vector<1x16xf32> to vector<16xf32>
      %swap3A_79 = vector.shape_cast %while3A_44#5 : vector<16xf32> to vector<1x16xf32>
      tpu.vector_store %arg9[%swap3A_75, %swap3A_76], %swap3A_79 {strides = array<i32>} : memref<1x128xf32, #tpu.memory_space<vmem>>, vector<1x16xf32>,
      %swap3A_80 = arith.constant 0 : i32
      %swap3A_81 = arith.index_cast %swap3A_80 : i32 to index
      %swap3A_82 = arith.constant 96 : index
      %swap3A_83 = tpu.vector_load %arg9[%swap3A_81, %swap3A_82] {strides = array<i32>} : memref<1x128xf32, #tpu.memory_space<vmem>>, vector<1x16xf32>,
      %swap3A_84 = vector.shape_cast %swap3A_83 : vector<1x16xf32> to vector<16xf32>
      %swap3A_85 = vector.shape_cast %while3A_44#6 : vector<16xf32> to vector<1x16xf32>
      tpu.vector_store %arg9[%swap3A_81, %swap3A_82], %swap3A_85 {strides = array<i32>} : memref<1x128xf32, #tpu.memory_space<vmem>>, vector<1x16xf32>,
      %swap3A_86 = arith.constant 0 : i32
      %swap3A_87 = arith.index_cast %swap3A_86 : i32 to index
      %swap3A_88 = arith.constant 112 : index
      %swap3A_89 = tpu.vector_load %arg9[%swap3A_87, %swap3A_88] {strides = array<i32>} : memref<1x128xf32, #tpu.memory_space<vmem>>, vector<1x16xf32>,
      %swap3A_90 = vector.shape_cast %swap3A_89 : vector<1x16xf32> to vector<16xf32>
      %swap3A_91 = vector.shape_cast %while3A_44#7 : vector<16xf32> to vector<1x16xf32>
      tpu.vector_store %arg9[%swap3A_87, %swap3A_88], %swap3A_91 {strides = array<i32>} : memref<1x128xf32, #tpu.memory_space<vmem>>, vector<1x16xf32>,
      "tpu.region"() ({
        %run_scoped3A = tpu.sem_alloc : memref<!tpu.dma_semaphore, #tpu.memory_space<semaphore_mem>>
        %dma_start3A_92 = arith.constant 0 : i32
        %dma_start3A_93 = tpu.memref_slice %arg11[%arg1, %dma_start3A_92] : memref<13x128xf32, #tpu.memory_space<vmem_shared>> -> memref<1x128xf32, #tpu.memory_space<vmem_shared>>
        %dma_start3A_94 = arith.constant 0 : i32
        %dma_start3A_95 = tpu.memref_slice %arg11[%arg1, %dma_start3A_94] : memref<13x128xf32, #tpu.memory_space<vmem_shared>> -> memref<1x128xf32, #tpu.memory_space<vmem_shared>>
        tpu.enqueue_dma source(%arg9 : memref<1x128xf32, #tpu.memory_space<vmem>>) target(%dma_start3A_95 : memref<1x128xf32, #tpu.memory_space<vmem_shared>>) target_semaphore(%run_scoped3A : memref<!tpu.dma_semaphore, #tpu.memory_space<semaphore_mem>>)
        %dma_wait3A_96 = arith.constant 0 : i32
        %dma_wait3A_97 = tpu.memref_slice %arg11[%arg1, %dma_wait3A_96] : memref<13x128xf32, #tpu.memory_space<vmem_shared>> -> memref<1x128xf32, #tpu.memory_space<vmem_shared>>
        %dma_wait3A_98 = arith.constant 0 : i32
        %dma_wait3A_99 = tpu.memref_slice %arg11[%arg1, %dma_wait3A_98] : memref<13x128xf32, #tpu.memory_space<vmem_shared>> -> memref<1x128xf32, #tpu.memory_space<vmem_shared>>
        tpu.wait_dma2 semaphore(%run_scoped3A : memref<!tpu.dma_semaphore, #tpu.memory_space<semaphore_mem>>) src(%arg9 : memref<1x128xf32, #tpu.memory_space<vmem>>) dst(%dma_wait3A_99 : memref<1x128xf32, #tpu.memory_space<vmem_shared>>)
        tpu.yield
      }) : () -> ()
    } else {
    }
    %barrier3A = arith.constant 0 : index
    tpu.barrier barrier_id(%barrier3A)
    %eq3A_8 = arith.constant 0 : i32
    %eq3A_9 = arith.cmpi eq, %arg1, %eq3A_8 : i32
    %convert_element_type3A_10 = arith.extui %eq3A_9 : i1 to i32
    %cond3A_11 = arith.constant 0 : i32
    %cond3A_12 = arith.cmpi ne, %convert_element_type3A_10, %cond3A_11 : i32
    scf.if %cond3A_12 {
      "tpu.region"() ({
        %run_scoped3A = tpu.sem_alloc : memref<!tpu.dma_semaphore, #tpu.memory_space<semaphore_mem>>
        tpu.enqueue_dma source(%arg11 : memref<13x128xf32, #tpu.memory_space<vmem_shared>>) target(%arg10 : memref<13x128xf32, #tpu.memory_space<vmem>>) target_semaphore(%run_scoped3A : memref<!tpu.dma_semaphore, #tpu.memory_space<semaphore_mem>>)
        tpu.wait_dma2 semaphore(%run_scoped3A : memref<!tpu.dma_semaphore, #tpu.memory_space<semaphore_mem>>) src(%arg11 : memref<13x128xf32, #tpu.memory_space<vmem_shared>>) dst(%arg10 : memref<13x128xf32, #tpu.memory_space<vmem>>)
        tpu.yield
      }) : () -> ()
      %get3A = arith.constant 0 : i32
      %get3A_13 = arith.index_cast %get3A : i32 to index
      %get3A_14 = arith.constant 0 : index
      %get3A_15 = tpu.vector_load %arg10[%get3A_13, %get3A_14] {strides = array<i32>} : memref<13x128xf32, #tpu.memory_space<vmem>>, vector<1x16xf32>,
      %get3A_16 = vector.shape_cast %get3A_15 : vector<1x16xf32> to vector<16xf32>
      %get3A_17 = arith.constant 0 : i32
      %get3A_18 = arith.index_cast %get3A_17 : i32 to index
      %get3A_19 = arith.constant 16 : index
      %get3A_20 = tpu.vector_load %arg10[%get3A_18, %get3A_19] {strides = array<i32>} : memref<13x128xf32, #tpu.memory_space<vmem>>, vector<1x16xf32>,
      %get3A_21 = vector.shape_cast %get3A_20 : vector<1x16xf32> to vector<16xf32>
      %get3A_22 = arith.constant 0 : i32
      %get3A_23 = arith.index_cast %get3A_22 : i32 to index
      %get3A_24 = arith.constant 32 : index
      %get3A_25 = tpu.vector_load %arg10[%get3A_23, %get3A_24] {strides = array<i32>} : memref<13x128xf32, #tpu.memory_space<vmem>>, vector<1x16xf32>,
      %get3A_26 = vector.shape_cast %get3A_25 : vector<1x16xf32> to vector<16xf32>
      %get3A_27 = arith.constant 0 : i32
      %get3A_28 = arith.index_cast %get3A_27 : i32 to index
      %get3A_29 = arith.constant 48 : index
      %get3A_30 = tpu.vector_load %arg10[%get3A_28, %get3A_29] {strides = array<i32>} : memref<13x128xf32, #tpu.memory_space<vmem>>, vector<1x16xf32>,
      %get3A_31 = vector.shape_cast %get3A_30 : vector<1x16xf32> to vector<16xf32>
      %get3A_32 = arith.constant 0 : i32
      %get3A_33 = arith.index_cast %get3A_32 : i32 to index
      %get3A_34 = arith.constant 64 : index
      %get3A_35 = tpu.vector_load %arg10[%get3A_33, %get3A_34] {strides = array<i32>} : memref<13x128xf32, #tpu.memory_space<vmem>>, vector<1x16xf32>,
      %get3A_36 = vector.shape_cast %get3A_35 : vector<1x16xf32> to vector<16xf32>
      %get3A_37 = arith.constant 0 : i32
      %get3A_38 = arith.index_cast %get3A_37 : i32 to index
      %get3A_39 = arith.constant 80 : index
      %get3A_40 = tpu.vector_load %arg10[%get3A_38, %get3A_39] {strides = array<i32>} : memref<13x128xf32, #tpu.memory_space<vmem>>, vector<1x16xf32>,
      %get3A_41 = vector.shape_cast %get3A_40 : vector<1x16xf32> to vector<16xf32>
      %get3A_42 = arith.constant 0 : i32
      %get3A_43 = arith.index_cast %get3A_42 : i32 to index
      %get3A_44 = arith.constant 96 : index
      %get3A_45 = tpu.vector_load %arg10[%get3A_43, %get3A_44] {strides = array<i32>} : memref<13x128xf32, #tpu.memory_space<vmem>>, vector<1x16xf32>,
      %get3A_46 = vector.shape_cast %get3A_45 : vector<1x16xf32> to vector<16xf32>
      %get3A_47 = arith.constant 0 : i32
      %get3A_48 = arith.index_cast %get3A_47 : i32 to index
      %get3A_49 = arith.constant 112 : index
      %get3A_50 = tpu.vector_load %arg10[%get3A_48, %get3A_49] {strides = array<i32>} : memref<13x128xf32, #tpu.memory_space<vmem>>, vector<1x16xf32>,
      %get3A_51 = vector.shape_cast %get3A_50 : vector<1x16xf32> to vector<16xf32>
      %scan3A = arith.constant 1 : i32
      %scan3A_52 = arith.constant 12 : i32
      %scan3A_53 = arith.addi %scan3A, %scan3A_52 : i32
      %scan3A_54 = arith.constant 1 : i32
      %scan3A_55:8 = scf.for %scan3A_104 = %scan3A to %scan3A_53 step %scan3A_54 iter_args(%scan3A_105 = %get3A_16, %scan3A_106 = %get3A_21, %scan3A_107 = %get3A_26, %scan3A_108 = %get3A_31, %scan3A_109 = %get3A_36, %scan3A_110 = %get3A_41, %scan3A_111 = %get3A_46, %scan3A_112 = %get3A_51) -> (vector<16xf32>, vector<16xf32>, vector<16xf32>, vector<16xf32>, vector<16xf32>, vector<16xf32>, vector<16xf32>, vector<16xf32>)  : i32 {
        %get3A_113 = arith.index_cast %scan3A_104 : i32 to index
        %get3A_114 = arith.constant 0 : index
        %get3A_115 = tpu.vector_load %arg10[%get3A_113, %get3A_114] {strides = array<i32>} : memref<13x128xf32, #tpu.memory_space<vmem>>, vector<1x16xf32>,
        %get3A_116 = vector.shape_cast %get3A_115 : vector<1x16xf32> to vector<16xf32>
        %add3A = arith.addf %scan3A_105, %get3A_116 : vector<16xf32>
        %get3A_117 = arith.index_cast %scan3A_104 : i32 to index
        %get3A_118 = arith.constant 16 : index
        %get3A_119 = tpu.vector_load %arg10[%get3A_117, %get3A_118] {strides = array<i32>} : memref<13x128xf32, #tpu.memory_space<vmem>>, vector<1x16xf32>,
        %get3A_120 = vector.shape_cast %get3A_119 : vector<1x16xf32> to vector<16xf32>
        %add3A_121 = arith.addf %scan3A_106, %get3A_120 : vector<16xf32>
        %get3A_122 = arith.index_cast %scan3A_104 : i32 to index
        %get3A_123 = arith.constant 32 : index
        %get3A_124 = tpu.vector_load %arg10[%get3A_122, %get3A_123] {strides = array<i32>} : memref<13x128xf32, #tpu.memory_space<vmem>>, vector<1x16xf32>,
        %get3A_125 = vector.shape_cast %get3A_124 : vector<1x16xf32> to vector<16xf32>
        %add3A_126 = arith.addf %scan3A_107, %get3A_125 : vector<16xf32>
        %get3A_127 = arith.index_cast %scan3A_104 : i32 to index
        %get3A_128 = arith.constant 48 : index
        %get3A_129 = tpu.vector_load %arg10[%get3A_127, %get3A_128] {strides = array<i32>} : memref<13x128xf32, #tpu.memory_space<vmem>>, vector<1x16xf32>,
        %get3A_130 = vector.shape_cast %get3A_129 : vector<1x16xf32> to vector<16xf32>
        %add3A_131 = arith.addf %scan3A_108, %get3A_130 : vector<16xf32>
        %get3A_132 = arith.index_cast %scan3A_104 : i32 to index
        %get3A_133 = arith.constant 64 : index
        %get3A_134 = tpu.vector_load %arg10[%get3A_132, %get3A_133] {strides = array<i32>} : memref<13x128xf32, #tpu.memory_space<vmem>>, vector<1x16xf32>,
        %get3A_135 = vector.shape_cast %get3A_134 : vector<1x16xf32> to vector<16xf32>
        %add3A_136 = arith.addf %scan3A_109, %get3A_135 : vector<16xf32>
        %get3A_137 = arith.index_cast %scan3A_104 : i32 to index
        %get3A_138 = arith.constant 80 : index
        %get3A_139 = tpu.vector_load %arg10[%get3A_137, %get3A_138] {strides = array<i32>} : memref<13x128xf32, #tpu.memory_space<vmem>>, vector<1x16xf32>,
        %get3A_140 = vector.shape_cast %get3A_139 : vector<1x16xf32> to vector<16xf32>
        %add3A_141 = arith.addf %scan3A_110, %get3A_140 : vector<16xf32>
        %get3A_142 = arith.index_cast %scan3A_104 : i32 to index
        %get3A_143 = arith.constant 96 : index
        %get3A_144 = tpu.vector_load %arg10[%get3A_142, %get3A_143] {strides = array<i32>} : memref<13x128xf32, #tpu.memory_space<vmem>>, vector<1x16xf32>,
        %get3A_145 = vector.shape_cast %get3A_144 : vector<1x16xf32> to vector<16xf32>
        %add3A_146 = arith.addf %scan3A_111, %get3A_145 : vector<16xf32>
        %get3A_147 = arith.index_cast %scan3A_104 : i32 to index
        %get3A_148 = arith.constant 112 : index
        %get3A_149 = tpu.vector_load %arg10[%get3A_147, %get3A_148] {strides = array<i32>} : memref<13x128xf32, #tpu.memory_space<vmem>>, vector<1x16xf32>,
        %get3A_150 = vector.shape_cast %get3A_149 : vector<1x16xf32> to vector<16xf32>
        %add3A_151 = arith.addf %scan3A_112, %get3A_150 : vector<16xf32>
        scf.yield %add3A, %add3A_121, %add3A_126, %add3A_131, %add3A_136, %add3A_141, %add3A_146, %add3A_151 : vector<16xf32>, vector<16xf32>, vector<16xf32>, vector<16xf32>, vector<16xf32>, vector<16xf32>, vector<16xf32>, vector<16xf32>
      }
      %scan3A_56 = arith.constant 12 : i32
      %swap3A = arith.constant 0 : i32
      %swap3A_57 = arith.index_cast %swap3A : i32 to index
      %swap3A_58 = arith.constant 0 : index
      %swap3A_59 = tpu.vector_load %arg9[%swap3A_57, %swap3A_58] {strides = array<i32>} : memref<1x128xf32, #tpu.memory_space<vmem>>, vector<1x16xf32>,
      %swap3A_60 = vector.shape_cast %swap3A_59 : vector<1x16xf32> to vector<16xf32>
      %swap3A_61 = vector.shape_cast %scan3A_55#0 : vector<16xf32> to vector<1x16xf32>
      tpu.vector_store %arg9[%swap3A_57, %swap3A_58], %swap3A_61 {strides = array<i32>} : memref<1x128xf32, #tpu.memory_space<vmem>>, vector<1x16xf32>,
      %swap3A_62 = arith.constant 0 : i32
      %swap3A_63 = arith.index_cast %swap3A_62 : i32 to index
      %swap3A_64 = arith.constant 16 : index
      %swap3A_65 = tpu.vector_load %arg9[%swap3A_63, %swap3A_64] {strides = array<i32>} : memref<1x128xf32, #tpu.memory_space<vmem>>, vector<1x16xf32>,
      %swap3A_66 = vector.shape_cast %swap3A_65 : vector<1x16xf32> to vector<16xf32>
      %swap3A_67 = vector.shape_cast %scan3A_55#1 : vector<16xf32> to vector<1x16xf32>
      tpu.vector_store %arg9[%swap3A_63, %swap3A_64], %swap3A_67 {strides = array<i32>} : memref<1x128xf32, #tpu.memory_space<vmem>>, vector<1x16xf32>,
      %swap3A_68 = arith.constant 0 : i32
      %swap3A_69 = arith.index_cast %swap3A_68 : i32 to index
      %swap3A_70 = arith.constant 32 : index
      %swap3A_71 = tpu.vector_load %arg9[%swap3A_69, %swap3A_70] {strides = array<i32>} : memref<1x128xf32, #tpu.memory_space<vmem>>, vector<1x16xf32>,
      %swap3A_72 = vector.shape_cast %swap3A_71 : vector<1x16xf32> to vector<16xf32>
      %swap3A_73 = vector.shape_cast %scan3A_55#2 : vector<16xf32> to vector<1x16xf32>
      tpu.vector_store %arg9[%swap3A_69, %swap3A_70], %swap3A_73 {strides = array<i32>} : memref<1x128xf32, #tpu.memory_space<vmem>>, vector<1x16xf32>,
      %swap3A_74 = arith.constant 0 : i32
      %swap3A_75 = arith.index_cast %swap3A_74 : i32 to index
      %swap3A_76 = arith.constant 48 : index
      %swap3A_77 = tpu.vector_load %arg9[%swap3A_75, %swap3A_76] {strides = array<i32>} : memref<1x128xf32, #tpu.memory_space<vmem>>, vector<1x16xf32>,
      %swap3A_78 = vector.shape_cast %swap3A_77 : vector<1x16xf32> to vector<16xf32>
      %swap3A_79 = vector.shape_cast %scan3A_55#3 : vector<16xf32> to vector<1x16xf32>
      tpu.vector_store %arg9[%swap3A_75, %swap3A_76], %swap3A_79 {strides = array<i32>} : memref<1x128xf32, #tpu.memory_space<vmem>>, vector<1x16xf32>,
      %swap3A_80 = arith.constant 0 : i32
      %swap3A_81 = arith.index_cast %swap3A_80 : i32 to index
      %swap3A_82 = arith.constant 64 : index
      %swap3A_83 = tpu.vector_load %arg9[%swap3A_81, %swap3A_82] {strides = array<i32>} : memref<1x128xf32, #tpu.memory_space<vmem>>, vector<1x16xf32>,
      %swap3A_84 = vector.shape_cast %swap3A_83 : vector<1x16xf32> to vector<16xf32>
      %swap3A_85 = vector.shape_cast %scan3A_55#4 : vector<16xf32> to vector<1x16xf32>
      tpu.vector_store %arg9[%swap3A_81, %swap3A_82], %swap3A_85 {strides = array<i32>} : memref<1x128xf32, #tpu.memory_space<vmem>>, vector<1x16xf32>,
      %swap3A_86 = arith.constant 0 : i32
      %swap3A_87 = arith.index_cast %swap3A_86 : i32 to index
      %swap3A_88 = arith.constant 80 : index
      %swap3A_89 = tpu.vector_load %arg9[%swap3A_87, %swap3A_88] {strides = array<i32>} : memref<1x128xf32, #tpu.memory_space<vmem>>, vector<1x16xf32>,
      %swap3A_90 = vector.shape_cast %swap3A_89 : vector<1x16xf32> to vector<16xf32>
      %swap3A_91 = vector.shape_cast %scan3A_55#5 : vector<16xf32> to vector<1x16xf32>
      tpu.vector_store %arg9[%swap3A_87, %swap3A_88], %swap3A_91 {strides = array<i32>} : memref<1x128xf32, #tpu.memory_space<vmem>>, vector<1x16xf32>,
      %swap3A_92 = arith.constant 0 : i32
      %swap3A_93 = arith.index_cast %swap3A_92 : i32 to index
      %swap3A_94 = arith.constant 96 : index
      %swap3A_95 = tpu.vector_load %arg9[%swap3A_93, %swap3A_94] {strides = array<i32>} : memref<1x128xf32, #tpu.memory_space<vmem>>, vector<1x16xf32>,
      %swap3A_96 = vector.shape_cast %swap3A_95 : vector<1x16xf32> to vector<16xf32>
      %swap3A_97 = vector.shape_cast %scan3A_55#6 : vector<16xf32> to vector<1x16xf32>
      tpu.vector_store %arg9[%swap3A_93, %swap3A_94], %swap3A_97 {strides = array<i32>} : memref<1x128xf32, #tpu.memory_space<vmem>>, vector<1x16xf32>,
      %swap3A_98 = arith.constant 0 : i32
      %swap3A_99 = arith.index_cast %swap3A_98 : i32 to index
      %swap3A_100 = arith.constant 112 : index
      %swap3A_101 = tpu.vector_load %arg9[%swap3A_99, %swap3A_100] {strides = array<i32>} : memref<1x128xf32, #tpu.memory_space<vmem>>, vector<1x16xf32>,
      %swap3A_102 = vector.shape_cast %swap3A_101 : vector<1x16xf32> to vector<16xf32>
      %swap3A_103 = vector.shape_cast %scan3A_55#7 : vector<16xf32> to vector<1x16xf32>
      tpu.vector_store %arg9[%swap3A_99, %swap3A_100], %swap3A_103 {strides = array<i32>} : memref<1x128xf32, #tpu.memory_space<vmem>>, vector<1x16xf32>,
      "tpu.region"() ({
        %run_scoped3A = tpu.sem_alloc : memref<!tpu.dma_semaphore, #tpu.memory_space<semaphore_mem>>
        tpu.enqueue_dma source(%arg9 : memref<1x128xf32, #tpu.memory_space<vmem>>) target(%arg5 : memref<1x128xf32, #tpu.memory_space<hbm>>) target_semaphore(%run_scoped3A : memref<!tpu.dma_semaphore, #tpu.memory_space<semaphore_mem>>)
        tpu.wait_dma2 semaphore(%run_scoped3A : memref<!tpu.dma_semaphore, #tpu.memory_space<semaphore_mem>>) src(%arg9 : memref<1x128xf32, #tpu.memory_space<vmem>>) dst(%arg5 : memref<1x128xf32, #tpu.memory_space<hbm>>)
        tpu.yield
      }) : () -> ()
    } else {
    }
    return
  }
}

</mosaic_0001>

<sc_bundles>
// kernel: kernel.3.cloned.1.call-start
scs
__scs_entry_jumppad:
0x0: {  	(pc) =	sbr.rel $0x88, $3  }
0x1: {  	(tag) =	ssettag $0x0;
	lr =	simm.s32 $0x1  }
0x2: {  	[smem:$0x3F9E] =	sst lr;
	_ =	strace $0xD0000000  }
0x3: {  	_ = 	snop  }
0x4: {  	_ = 	snop  }
0x5: {  	_ = 	snop  }
0x6: {  	_ = 	snop  }
0x7: {  	_ = 	snop  }
__scs_overlays_trampoline_lowered:
0x8: {  	[smem:$0x3FAD] =	sst s0  }
0x9: {  	[smem:$0x3FAE] =	sst s1  }
0xa: {  	[smem:$0x3FAF] =	sst s2  }
0xb: {  	[smem:$0x3FB0] =	sst s3  }
0xc: {  	[smem:$0x3FB1] =	sst s4  }
0xd: {  	[smem:$0x3FB2] =	sst s5  }
0xe: {  	[smem:$0x3FB3] =	sst s6  }
0xf: {  	[smem:$0x3FB4] =	sst s7  }
0x10: {  	[smem:$0x3FB5] =	sst s8  }
0x11: {  	[smem:$0x3FB6] =	sst s9;
	s0 =	simm.s32 @!p0 $0x0  }
0x12: {  	s1 =	sld [smem:$0x3F9C];
	s0 =	simm.s32 @p0 $0x1  }
0x13: {  	[smem:$0x3FB7] =	sst s0;
	s0 =	simm.s32 @!p1 $0x0  }
0x14: {  	s2 =	sld [smem:$0x3F9B];
	s0 =	simm.s32 @p1 $0x1  }
0x15: {  	[smem:$0x3FB8] =	sst s0;
	s0 =	simm.s32 @!p2 $0x0  }
0x16: {  	s3 =	sld [smem:$0x3FDB];
	s0 =	simm.s32 @p2 $0x1  }
0x17: {  	s4 =	simm.s32 $0x1BF5;
	[smem:$0x3FBA] =	sst s0  }
0x18: {  	s0 =	sld [smem:$0x3F9D];
	_ =	swait.ge [sflag:s4], $0x0  }
0x19: {  	s7 =	sld [smem:$0x3F9E]  }
0x1a: {  	s8 =	sadd.s32 $0xFFFFE003, lr  }
0x1b: {  	s9 =	sadd.s32 $0xFFFFFEF7, lr;
	s5 =	simm.s32 $0xFFFFFFFF;
	p2 =	slt.u32 s8, $0xFFFFF086  }
0x1c: {  	p1 =	slt.u32 s9, $0xF7A;
	s5 =	simm.s32 @!p2 $0x0  }
0x1d: {  	s5 =	simm.s32 @p1 $0x1;
	p0 =	seq.s32 s7, s2  }
0x1e: {  	s7 =	smul.u32 @!p0 $0xF7A, s2;
	p2 =	seq.s32 @!p0 s5, $0x0  }
0x1f: {  	s9 =	smul.u32 $0xF7A, s1;
	s8 =	simm.s32 @!p0 $0x1BF5;
	p2 =	por !p2, p0  }
0x20: {  	[sflag:s8] =	ssyncset.s32 @!p0 $0xFFFFF086;
	s6 =	sadd.s32 @!p0 s3, s7;
	s7 =	simm.s32 @!p0 $0x108  }
0x21: {  	s3 =	sadd.s32 s3, s9;
	s6 =	sadd.s32 @!p0 $0x88, s6;
	s7 =	simm.s32 @p2 $0x1082  }
0x22: {  	[simem:s7], [sflag:s8] =	dma.local @!p0 [hbm:s6], $0xF7A  }
0x23: {  	s9 =	sor.u32 $0xD0000000, s2;
	s6 =	simm.s32 $0x108;
	_ =	swait.ge @!p0 [sflag:s8], $0x0  }
0x24: {  	s3 =	sadd.s32 $0x88, s3;
	s6 =	simm.s32 @!p1 $0x1082;
	[sflag:s4] =	ssyncset.s32 $0xFFFFF086  }
0x25: {  	[simem:s6], [sflag:s4] =	dma.local [hbm:s3], $0xF7A  }
0x26: {  	[smem:$0x3F9E] =	sst s1;
	(tag) =	ssettag s2;
	_ =	strace s9  }
0x27: {  	s1 =	sld [smem:$0x3FAE]  }
0x28: {  	s2 =	sld [smem:$0x3FAF]  }
0x29: {  	s4 =	sld [smem:$0x3FB1]  }
0x2a: {  	p0 =	seq.s32 s5, $0x0;
	s5 =	sld [smem:$0x3FB2]  }
0x2b: {  	s6 =	sld [smem:$0x3FB3]  }
0x2c: {  	s7 =	sld [smem:$0x3FB4]  }
0x2d: {  	s3 =	simm.s32 $0x108;
	s8 =	sld [smem:$0x3FB5]  }
0x2e: {  	s3 =	simm.s32 @!p0 $0x1082;
	s9 =	sld [smem:$0x3FB6]  }
0x2f: {  	lr =	sadd.s32 s0, s3;
	s0 =	sld [smem:$0x3FAD]  }
0x30: {  	s3 =	sld [smem:$0x3FB0]  }
0x31: {  	[smem:$0x3FB9] =	sst s10  }
0x32: {  	s10 =	sld [smem:$0x3FB7];
	_ =	sdelay $0x3  }
0x33: {  	p0 =	seq.s32 s10, $0x1;
	s10 =	sld [smem:$0x3FB9];
	_ =	sdelay $0x3  }
0x34: {  	[smem:$0x3FB9] =	sst s10  }
0x35: {  	s10 =	sld [smem:$0x3FB8];
	_ =	sdelay $0x3  }
0x36: {  	p1 =	seq.s32 s10, $0x1;
	s10 =	sld [smem:$0x3FB9];
	_ =	sdelay $0x3  }
0x37: {  	[smem:$0x3FB9] =	sst s10  }
0x38: {  	s10 =	sld [smem:$0x3FBA]  }
0x39: {  	_ = 	snop;
	(pc) =	sbr.ind lr, $3  }
0x3a: {  	_ = 	snop  }
0x3b: {  	_ = 	snop  }
0x3c: {  	p2 =	seq.s32 s10, $0x1;
	s10 =	sld [smem:$0x3FB9]  }
0x3d: {  	_ =	shalt  }
0x3e: {  	_ =	shalt  }
0x3f: {  	_ =	shalt  }
0x40: {  	_ =	shalt  }
0x41: {  	_ =	shalt  }
0x42: {  	_ =	shalt  }
0x43: {  	_ =	shalt  }
0x44: {  	_ =	shalt  }
0x45: {  	_ =	shalt  }
0x46: {  	_ =	shalt  }
0x47: {  	_ =	shalt  }
0x48: {  	_ =	shalt  }
0x49: {  	_ =	shalt  }
0x4a: {  	_ =	shalt  }
0x4b: {  	_ =	shalt  }
0x4c: {  	_ =	shalt  }
0x4d: {  	_ =	shalt  }
0x4e: {  	_ =	shalt  }
0x4f: {  	_ =	shalt  }
0x50: {  	_ =	shalt  }
0x51: {  	_ =	shalt  }
0x52: {  	_ =	shalt  }
0x53: {  	_ =	shalt  }
0x54: {  	_ =	shalt  }
0x55: {  	_ =	shalt  }
0x56: {  	_ =	shalt  }
0x57: {  	_ =	shalt  }
0x58: {  	_ =	shalt  }
0x59: {  	_ =	shalt  }
0x5a: {  	_ =	shalt  }
0x5b: {  	_ =	shalt  }
0x5c: {  	_ =	shalt  }
0x5d: {  	_ =	shalt  }
0x5e: {  	_ =	shalt  }
0x5f: {  	_ =	shalt  }
0x60: {  	_ =	shalt  }
0x61: {  	_ =	shalt  }
0x62: {  	_ =	shalt  }
0x63: {  	_ =	shalt  }
0x64: {  	_ =	shalt  }
0x65: {  	_ =	shalt  }
0x66: {  	_ =	shalt  }
0x67: {  	_ =	shalt  }
0x68: {  	_ =	shalt  }
0x69: {  	_ =	shalt  }
0x6a: {  	_ =	shalt  }
0x6b: {  	_ =	shalt  }
0x6c: {  	_ =	shalt  }
0x6d: {  	_ =	shalt  }
0x6e: {  	_ =	shalt  }
0x6f: {  	_ =	shalt  }
0x70: {  	_ =	shalt  }
0x71: {  	_ =	shalt  }
0x72: {  	_ =	shalt  }
0x73: {  	_ =	shalt  }
0x74: {  	_ =	shalt  }
0x75: {  	_ =	shalt  }
0x76: {  	_ =	shalt  }
0x77: {  	_ =	shalt  }
0x78: {  	_ =	shalt  }
0x79: {  	_ =	shalt  }
0x7a: {  	_ =	shalt  }
0x7b: {  	_ =	shalt  }
0x7c: {  	_ =	shalt  }
0x7d: {  	_ =	shalt  }
0x7e: {  	_ =	shalt  }
0x7f: {  	_ =	shalt  }
0x80: {  	_ =	shalt  }
0x81: {  	_ =	shalt  }
0x82: {  	_ =	shalt  }
0x83: {  	_ =	shalt  }
0x84: {  	_ =	shalt  }
0x85: {  	_ =	shalt  }
0x86: {  	_ =	shalt  }
0x87: {  	_ =	shalt  }
.Lfunc_end0:
.L_simem_size_0:
called_computation_lowered:
.L_overlay_start_0:
0x88: {  	s0 =	sld [smem:$0x3FD9]  }
0x89: {  	s1 =	sld [smem:$0x3FFE];
	_ =	sdelay $0x3  }
0x8a: {  	s0 =	sadd.s32 s1, s0  }
0x8b: {  	[smem:$0x3FC5] =	sst s0  }
0x8c: {  	_ = 	snop  }
0x8d: {  	s0 =	sld [smem:$0x3FC9]  }
0x8e: {  	s17 =	sld [smem:$0x3FC8]  }
0x8f: {  	s2 =	sld [smem:$0x3FC7]  }
0x90: {  	s3 =	sld [smem:$0x3FD0];
	(tm) =	ssettm $0x1  }
0x91: {  	s4 =	sld [smem:$0x3FFB];
	_ =	sdelay $0x3  }
0x92: {  	_ =	strace s4  }
0x93: {  	s4 =	sld [smem:$0x3FFC];
	_ =	sdelay $0x3  }
0x94: {  	_ =	strace s4  }
0x95: {  	s4 =	sld [smem:$0x3FFD];
	_ =	sdelay $0x3  }
0x96: {  	_ =	strace s4  }
0x97: {  	_ =	strace $0x8FFFFFFF  }
0x98: {  	s18 =	sld [smem:$0x3FDB];
	_ =	sdelay $0x1  }
0x99: {  	s5 =	simm.s32 $_scs_section_size  }
0x9a: {  	s6 =	simm.s32 $_size__tile_overlayer_lowered;
	s7 =	simm.s32 $_tile_overlayer_lowered  }
0x9b: {  	s21 =	simm.s32 $0x1BFF;
	s20 =	sshll.u32 s7, $0x1;
	s4 =	sadd.s32 s5, s18  }
0x9c: {  	s8 =	simm.s32 $0x0;
	s19 =	sshll.u32 s6, $0x1;
	s6 =	sadd.s32 s20, s4  }
0x9d: {  	[timem:s8], [sflag:s21] =	dma.local [hbm:s6], s19  }
0x9e: {  	_ =	swait.ge [sflag:s21], s19  }
0x9f: {  	s5 =	ssub.s32 $0x0, s19;
	[sflag:s21] =	ssyncset.done $0x0  }
0xa0: {  	[sflag:s21] =	ssyncadd.s32 s5;
	_ =	sdelay $0x1  }
0xa1: {  	s22 =	simm.s32 $0x1B8B  }
0xa2: {  	_ =	swait.ge [sflag:s22], $0x1  }
0xa3: {  	[sflag:s22] =	ssyncset.done $0x0  }
0xa4: {  	s23 =	simm.s32 $0x1B8E;
	[sflag:s22] =	ssyncadd.s32 $0xFFFFFFFF  }
0xa5: {  	s24 =	simm.s32 $execute0_lowered;
	[smem:$0x3FD2] =	sst s23  }
0xa6: {  	s5 =	sshll.u32 s24, $0x1;
	_ =	strace $0x80000046;
	[dreg:$0x1] =	wrdreg $0xFFFFFFFF  }
0xa7: {  	s25 =	simm.s32 $_size_execute0_lowered;
	s4 =	sadd.s32 s4, s5;
	[dreg:$0x0] =	wrdreg $0x0  }
0xa8: {  	s5 =	sshll.u32 s25, $0x1;
	[dreg:$0x2] =	wrdreg s4  }
0xa9: {  	[dreg:$0x3] =	wrdreg s5  }
0xaa: {  	[dreg:$0x4] =	wrdreg $0xC0  }
0xab: {  	_ =	task [dreg:s8], $0x5FFFF  }
0xac: {  	[dreg:$0x1] =	wrdreg $0xFFFFFFFF  }
0xad: {  	[dreg:$0x0] =	wrdreg $0x60  }
0xae: {  	[dreg:$0x2] =	wrdreg s0  }
0xaf: {  	[dreg:$0x3] =	wrdreg s17  }
0xb0: {  	[dreg:$0x4] =	wrdreg s2  }
0xb1: {  	[dreg:$0x5] =	wrdreg s3  }
0xb2: {  	[dreg:$0x6] =	wrdreg $0x19000  }
0xb3: {  	[dreg:$0x7] =	wrdreg $0x9  }
0xb4: {  	_ =	task.clear_ibuf [dreg:s8], $0x8FFFF;
	_ =	strace $0x90000046  }
0xb5: {  	s26 =	simm.s32 $0x9;
	_ =	strace $0x80000048  }
0xb6: {  	_ =	swait.ge [sflag:s26], $0x1  }
0xb7: {  	[sflag:s26] =	ssyncadd.s32 $0xFFFFFFFF  }
0xb8: {  	_ =	strace $0x90000048  }
0xb9: {  	_ =	sfence  }
0xba: {  	s28 =	sld [smem:$0x0];
	_ =	sdelay $0x1  }
0xbb: {  	s29 =	srdreg.scid  }
0xbc: {  	s30 =	sshll.u32 s29, $0xD;
	s31 =	sshrl.u32 s29, $0x2  }
0xbd: {  	s1 =	sand.u32 $0x1, s29;
	s2 =	sand.u32 $0x4000, s30;
	s0 =	sadd.s32 s31, s28  }
0xbe: {  	s1 =	sor.u32 s2, s1;
	s0 =	sshll.u32 s0, $0x11  }
0xbf: {  	s0 =	sor.u32 s0, s1  }
0xc0: {  	s0 =	sadd.s32 $0x8F2B, s0  }
0xc1: {  	[sflag:s0] =	ssyncadd.remote.s32 $0x1  }
0xc2: {  	_ =	sfence.sel $0xFFFF  }
0xc3: {  	[dreg:$0x0] =	wrdreg $0xFFFFFFFF;
	(pc) =	sbr.abs _section_cstart, $3  }
0xc4: {  	[dreg:$0x1] =	wrdreg $0xFFFFFFFF  }
0xc5: {  	_ =	task.clear_ibuf [dreg:s8], $0x2FFFF;
	_ =	strace $0x9FFFFFFF  }
0xc6: {  	(tm) =	ssettm $0x7FFFFFFF  }
0xc7: {  	_ =	shalt  }
tec
execute0_lowered:
.L_overlay_start_1:
0x0: {  	(tag) =	ssettag $0x1  }
0x1: {  	s6 =	rddreg [dreg:$0x0];
	s1 =	stileid.u32  }
0x2: {  	s4 =	rddreg [dreg:$0x1];
	p0 =	slt.u32 s1, $0xD  }
.Ltmp0:
0x3: {  	s7 =	rddreg [dreg:$0x2];
	(pc) =	sbr.rel @!p0 .LBB2_1-.Ltmp0, $4  }
0x4: {  	s2 =	rddreg [dreg:$0x3]  }
0x5: {  	s3 =	rddreg [dreg:$0x4];
	s5 =	simm.s32 $0x0  }
0x6: {  	[smem:$0x7FF] =	sst s5  }
0x7: {  	s0 =	rddreg [dreg:$0x5];
	_ =	strace $0x80000047  }
0x8: {  	p0 =	seq.s32 s1, $0xC;
	s8 =	sshll.u32 s1, $0x4  }
0x9: {  	s8 =	simm.s32 @p0 $0xB8  }
0xa: {  	s9 =	sshrl.u32 s8, $0x3  }
0xb: {  	s8 =	sshll.u32 s8, $0x4;
	s6 =	sadd.s32 s6, s9  }
0xc: {  	[tilespmem:s5], [sflag:$0x1] =	stream.linear.gather [hbm4b:s6+s5], $0x10, $0x38;
	[tilespmem:$0x1968] =	vst v63  }
0xd: {  	s22 =	simm.s32 $0x880;
	s23 =	simm.s32 $0x1;
	s21 =	sadd.s32 s7, s8  }
0xe: {  	[tilespmem:s22], [sflag:$0x2] =	stream.linear.gather [hbm4b:s21+s5], $0x800, $0x38;
	[tilespmem:$0x1968] =	vst v63  }
0xf: {  	_ =	swait.ge [sflag:s23], $0x10  }
0x10: {  	[sflag:s23] =	ssyncset.done $0x0  }
0x11: {  	s24 =	simm.s32 $0x10;
	s25 =	simm.s32 $0x80;
	[sflag:s23] =	ssyncadd.s32 $0xFFFFFFF0  }
0x12: {  	[tilespmem:s25], [sflag:$0x3] =	stream.indirect.gather [hbm4b:s4+s24], $0x80, s5, s24, $0xb8;
	[tilespmem:$0x1968] =	vst v63  }
0x13: {  	s26 =	simm.s32 $0x2;
	s5 =	simm.s32 $0x8  }
0x14: {  	_ =	swait.ge [sflag:s26], $0x800;
	s5 =	simm.s32 @!p0 $0x0  }
0x15: {  	[sflag:s26] =	ssyncset.done $0x0;
	s30 =	ssub.s32 $0x10, s5  }
0x16: {  	s28 =	simm.s32 $0x3;
	[sflag:s26] =	ssyncadd.s32 $0xFFFFF800;
	p1 =	sne.s32 s30, $0x1  }
.Ltmp1:
0x17: {  	_ =	swait.ge [sflag:s28], $0x800;
	(pc) =	sbr.rel @!p1 .LBB2_3-.Ltmp1, $4  }
0x18: {  	s29 =	sshll.u32 s5, $0x7;
	[sflag:s28] =	ssyncset.done $0x0  }
0x19: {  	s6 =	sor.u32 $0xC0, s29;
	[sflag:s28] =	ssyncadd.s32 $0xFFFFF800  }
0x1a: {  	s31 =	sshll.u32 s1, $0x7;
	s5 =	sor.u32 $0x8C0, s29;
	v2 =	vld [tilespmem:s6+$0x30]  }
0x1b: {  	v0 =	vimm.f32 $0.0e+00;
	s4 =	sadd.s32 s31, s3;
	p0 =	por $0x0, $0x0;
	s7 =	sadd.s32 $0xFFFFFFFF, s30;
	v9 =	vld [tilespmem:s5+$0x30]  }
0x1c: {  	v1 =	vld [tilespmem:s6+$0xFFFFFFD0]  }
0x1d: {  	v3 =	vld [tilespmem:s5+$0xFFFFFFD0]  }
0x1e: {  	v4 =	vld [tilespmem:s6+$0xFFFFFFE0]  }
0x1f: {  	v5 =	vld [tilespmem:s5+$0xFFFFFFE0]  }
0x20: {  	v6 =	vld [tilespmem:s6+$0xFFFFFFF0]  }
0x21: {  	v7 =	vld [tilespmem:s5+$0xFFFFFFF0]  }
0x22: {  	v8 =	vld [tilespmem:s6+$0x0]  }
0x23: {  	v15 =	vld [tilespmem:s6+$0x10]  }
0x24: {  	v16 =	vld [tilespmem:s5+$0x10]  }
0x25: {  	v11 =	vld [tilespmem:s5+$0x0];
	_ =	sdelay $0x1  }
0x26: {  	v10 =	vld [tilespmem:s5+$0xFFFFFFC0];
	p1 =	sne.s32 s7, $0x1;
	v2 =	vmul.f32 v9, v2  }
.Ltmp2:
0x27: {  	v12 =	vld [tilespmem:s6+$0x20];
	v3 =	vmul.f32 v3, v1;
	(pc) =	sbr.rel @!p1 .LBB2_5-.Ltmp2, $4  }
0x28: {  	v13 =	vld [tilespmem:s5+$0x20];
	v4 =	vmul.f32 v5, v4;
	v15 =	vmul.f32 v16, v15;
	v1 =	vadd.f32 v2, v0  }
0x29: {  	v14 =	vld [tilespmem:s6+$0xFFFFFFC0];
	s5 =	sadd.s32 $0x80, s5;
	v2 =	vmul.f32 v7, v6;
	v6 =	vmul.f32 v11, v8;
	v8 =	vimm.f32 $0.0e+00  }
0x2a: {  	s6 =	sadd.s32 $0x80, s6;
	v9 =	vld [tilespmem:s5+$0x30];
	v7 =	vimm.f32 $0.0e+00;
	v3 =	vadd.f32 v3, v0;
	v4 =	vadd.f32 v4, v0  }
0x2b: {  	s7 =	sadd.s32 $0xFFFFFFFF, s7;
	p0 =	por $0x1, $0x1;
	v11 =	vimm.f32 $0.0e+00;
	v5 =	vadd.f32 v2, v0;
	v2 =	vld [tilespmem:s6+$0x30];
	v6 =	vadd.f32 v6, v0  }
.LBB2_6:
0x2c: {  	p1 =	sne.s32 s7, $0x1;
	v16 =	vld [tilespmem:s5+$0xFFFFFFC0]  }
0x2d: {  	v17 =	vld [tilespmem:s6+$0xFFFFFFD0];
	v8 =	vadd.f32 v15, v8;
	v12 =	vmul.f32 v13, v12  }
0x2e: {  	v13 =	vld [tilespmem:s5+$0xFFFFFFD0];
	v15 =	vmul.f32 v10, v14  }
0x2f: {  	v14 =	vld [tilespmem:s6+$0xFFFFFFE0];
	v7 =	vadd.f32 v12, v7  }
0x30: {  	v12 =	vld [tilespmem:s5+$0xFFFFFFE0];
	v2 =	vmul.f32 v9, v2;
	v11 =	vadd.f32 v15, v11  }
0x31: {  	v9 =	vld [tilespmem:s6+$0xFFFFFFF0];
	v10 =	vmov v16  }
0x32: {  	v15 =	vld [tilespmem:s5+$0xFFFFFFF0];
	v1 =	vadd.f32 v2, v1  }
0x33: {  	v2 =	vmul.f32 v13, v17;
	v16 =	vld [tilespmem:s6+$0x0]  }
0x34: {  	v17 =	vld [tilespmem:s5+$0x0]  }
0x35: {  	v3 =	vadd.f32 v2, v3;
	v2 =	vmul.f32 v12, v14;
	v18 =	vld [tilespmem:s6+$0x10]  }
0x36: {  	v19 =	vld [tilespmem:s5+$0x10]  }
.Ltmp3:
0x37: {  	v4 =	vadd.f32 v2, v4;
	v2 =	vmul.f32 v15, v9;
	v12 =	vld [tilespmem:s6+$0x20];
	(pc) =	sbr.rel @p1 .LBB2_6-.Ltmp3, $4  }
0x38: {  	v13 =	vld [tilespmem:s5+$0x20]  }
0x39: {  	v14 =	vld [tilespmem:s6+$0xFFFFFFC0];
	v5 =	vadd.f32 v2, v5;
	v15 =	vmul.f32 v17, v16;
	s6 =	sadd.s32 $0x80, s6  }
0x3a: {  	s5 =	sadd.s32 $0x80, s5;
	v2 =	vld [tilespmem:s6+$0x30]  }
0x3b: {  	s7 =	sadd.s32 $0xFFFFFFFF, s7;
	v9 =	vld [tilespmem:s5+$0x30];
	v6 =	vadd.f32 v15, v6;
	v15 =	vmul.f32 v19, v18  }
.LBB2_7:
0x3c: {  	v16 =	vld [tilespmem:s5+$0xFFFFFFC0]  }
0x3d: {  	v17 =	vld [tilespmem:s6+$0xFFFFFFD0]  }
0x3e: {  	v18 =	vld [tilespmem:s5+$0xFFFFFFD0]  }
0x3f: {  	v19 =	vld [tilespmem:s6+$0xFFFFFFE0]  }
0x40: {  	v20 =	vld [tilespmem:s5+$0xFFFFFFE0]  }
0x41: {  	v21 =	vld [tilespmem:s6+$0xFFFFFFF0]  }
0x42: {  	v22 =	vld [tilespmem:s5+$0xFFFFFFF0]  }
0x43: {  	v23 =	vld [tilespmem:s6+$0xFFFFFFC0]  }
0x44: {  	v24 =	vld [tilespmem:s6+$0x0]  }
0x45: {  	v53 =	vld [tilespmem:s5+$0x0];
	v10 =	vmul.f32 @p0 v10, v14  }
0x46: {  	v25 =	vld [tilespmem:s6+$0x10]  }
0x47: {  	v54 =	vld [tilespmem:s5+$0x10];
	v10 =	vadd.f32 @p0 v10, v11;
	v2 =	vmul.f32 v9, v2  }
0x48: {  	v55 =	vld [tilespmem:s6+$0x20];
	v16 =	vmul.f32 v16, v23  }
0x49: {  	v56 =	vld [tilespmem:s5+$0x20];
	v17 =	vmul.f32 v18, v17;
	v10 =	vpsel p0, v10, v0;
	v1 =	vadd.f32 v2, v1  }
0x4a: {  	v19 =	vmul.f32 v20, v19;
	v10 =	vadd.f32 v16, v10  }
0x4b: {  	v12 =	vmul.f32 @p0 v13, v12;
	v57 =	vmul.f32 v22, v21;
	v3 =	vadd.f32 v17, v3;
	[tilespmem:$0x10F0] =	vst v1  }
0x4c: {  	v8 =	vadd.f32 @p0 v15, v8;
	v14 =	vmul.f32 v53, v24;
	v4 =	vadd.f32 v19, v4;
	[tilespmem:$0x1080] =	vst v10  }
0x4d: {  	v7 =	vadd.f32 @p0 v12, v7;
	v58 =	vmul.f32 v54, v25;
	v5 =	vadd.f32 v57, v5;
	[tilespmem:$0x1090] =	vst v3  }
0x4e: {  	v60 =	vpsel p0, v8, v0;
	v61 =	vmul.f32 v56, v55;
	v59 =	vadd.f32 v14, v6;
	[tilespmem:$0x10A0] =	vst v4  }
0x4f: {  	v62 =	vpsel p0, v7, v0;
	v63 =	vadd.f32 v58, v60;
	[tilespmem:$0x10B0] =	vst v5  }
0x50: {  	v0 =	vadd.f32 v61, v62;
	[tilespmem:$0x10C0] =	vst v59  }
0x51: {  	[tilespmem:$0x10D0] =	vst v63  }
0x52: {  	s31 =	simm.s32 $0x1080;
	[tilespmem:$0x10E0] =	vst v0  }
0x53: {  	[spmem:s4] =	stream.linear.scatter [tilespmem:s31], [sflag:$0x4], $0x80, $0x38;
	[tilespmem:$0x1968] =	vst v63  }
0x54: {  	s4 =	simm.s32 $0x4  }
0x55: {  	_ =	swait.ge [sflag:s4], $0x80  }
0x56: {  	[sflag:s4] =	ssyncset.done $0x0  }
0x57: {  	[sflag:s4] =	ssyncadd.s32 $0xFFFFFF80  }
0x58: {  	p0 =	sne.s32 s1, $0x0;
	[bflag:$0x0] =	sbarrier.arrive $0xFFFF  }
0x59: {  	_ =	sfence.sel @p0 $0x180000  }
0x5a: {  	[bflag:$0x0] =	sbarrier.arrive @p0 $0xFFFF  }
0x5b: {  	_ =	strace @p0 $0x90000047  }
0x5c: {  	[bflag:$0x2] =	sbarrier.arrive @p0 $0xFFFF  }
0x5d: {  	_ =	shalt @p0  }
.LBB2_8:
0x5e: {  	s5 =	simm.s32 $0x1100  }
0x5f: {  	[tilespmem:s5], [sflag:$0x4] =	stream.linear.gather [spmem:s3], $0x680, $0x38;
	[tilespmem:$0x1968] =	vst v63  }
0x60: {  	_ =	swait.ge [sflag:s4], $0x680  }
0x61: {  	[sflag:s4] =	ssyncset.done $0x0  }
0x62: {  	[sflag:s4] =	ssyncadd.s32 $0xFFFFF980  }
0x63: {  	v8 =	vld [tilespmem:$0x1100]  }
0x64: {  	v9 =	vld [tilespmem:$0x1110]  }
0x65: {  	v5 =	vld [tilespmem:$0x1120]  }
0x66: {  	v4 =	vld [tilespmem:$0x1130]  }
0x67: {  	v3 =	vld [tilespmem:$0x1140]  }
0x68: {  	v1 =	vld [tilespmem:$0x1150]  }
0x69: {  	v0 =	vld [tilespmem:$0x1160]  }
0x6a: {  	s31 =	simm.s32 $0xF0;
	v2 =	vld [tilespmem:$0x1170]  }
0x6b: {  	v7 =	vld [tilespmem:s31+$0x1100]  }
0x6c: {  	v11 =	vld [tilespmem:s31+$0x1090]  }
0x6d: {  	v13 =	vld [tilespmem:s31+$0x10A0]  }
0x6e: {  	v12 =	vld [tilespmem:s31+$0x10B0]  }
0x6f: {  	v10 =	vld [tilespmem:s31+$0x10C0]  }
0x70: {  	v6 =	vld [tilespmem:s31+$0x10D0]  }
0x71: {  	v2 =	vadd.f32 v7, v2;
	v7 =	vld [tilespmem:s31+$0x10E0]  }
0x72: {  	s3 =	simm.s32 $0x170;
	s4 =	simm.s32 $0x7C0;
	v8 =	vadd.f32 v11, v8;
	v9 =	vadd.f32 v13, v9;
	v11 =	vld [tilespmem:s31+$0x10F0]  }
.LBB2_9:
0x73: {  	p0 =	sne.s32 s4, $0x19C0;
	v13 =	vld [tilespmem:s3+$0x1100];
	v5 =	vadd.f32 v12, v5  }
0x74: {  	v14 =	vld [tilespmem:s3+$0x1090];
	v4 =	vadd.f32 v10, v4  }
0x75: {  	v15 =	vld [tilespmem:s3+$0x10A0];
	v3 =	vadd.f32 v6, v3  }
.Ltmp4:
0x76: {  	v12 =	vld [tilespmem:s3+$0x10B0];
	v1 =	vadd.f32 v7, v1;
	(pc) =	sbr.rel @p0 .LBB2_9-.Ltmp4, $4  }
0x77: {  	v10 =	vld [tilespmem:s3+$0x10C0];
	v0 =	vadd.f32 v11, v0  }
0x78: {  	v6 =	vld [tilespmem:s3+$0x10D0];
	v2 =	vadd.f32 v13, v2  }
0x79: {  	v8 =	vadd.f32 v14, v8;
	v7 =	vld [tilespmem:s3+$0x10E0]  }
0x7a: {  	v9 =	vadd.f32 v15, v9;
	v11 =	vld [tilespmem:s3+$0x10F0];
	s3 =	sshra.s32 s4, $0x2;
	s4 =	sadd.s32 $0x200, s4  }
0x7b: {  	v14 =	vld [tilespmem:s3+$0x1090]  }
0x7c: {  	v15 =	vld [tilespmem:s3+$0x10A0]  }
0x7d: {  	v16 =	vld [tilespmem:s3+$0x10B0]  }
0x7e: {  	v17 =	vld [tilespmem:s3+$0x10C0]  }
0x7f: {  	v18 =	vld [tilespmem:s3+$0x10D0]  }
0x80: {  	v5 =	vadd.f32 v12, v5;
	v62 =	vld [tilespmem:s3+$0x10E0];
	v8 =	vadd.f32 v14, v8  }
0x81: {  	v13 =	vld [tilespmem:s3+$0x1100];
	v4 =	vadd.f32 v10, v4;
	v9 =	vadd.f32 v15, v9  }
0x82: {  	v63 =	vld [tilespmem:s3+$0x10F0];
	v3 =	vadd.f32 v6, v3;
	v5 =	vadd.f32 v16, v5;
	[tilespmem:$0x1080] =	vst v8  }
0x83: {  	v1 =	vadd.f32 v7, v1;
	v4 =	vadd.f32 v17, v4;
	[tilespmem:$0x1090] =	vst v9  }
0x84: {  	v3 =	vadd.f32 v18, v3;
	[tilespmem:$0x10A0] =	vst v5  }
0x85: {  	v0 =	vadd.f32 v11, v0;
	v1 =	vadd.f32 v62, v1;
	[tilespmem:$0x10B0] =	vst v4  }
0x86: {  	v2 =	vadd.f32 v13, v2;
	[tilespmem:$0x10C0] =	vst v3  }
0x87: {  	v0 =	vadd.f32 v63, v0;
	[tilespmem:$0x10D0] =	vst v1  }
0x88: {  	s30 =	simm.s32 $0x0;
	[tilespmem:$0x10F0] =	vst v2  }
.Ltmp5:
0x89: {  	s4 =	simm.s32 $0x1080;
	s31 =	simm.s32 $0x4;
	[tilespmem:$0x10E0] =	vst v0;
	(pc) =	sbr.rel .LBB2_11-.Ltmp5, $4  }
0x8a: {  	[hbm4b:s2+s30] =	stream.linear.scatter [tilespmem:s4], [sflag:$0x4], $0x80, $0x38;
	[tilespmem:$0x1968] =	vst v63  }
0x8b: {  	_ =	swait.ge [sflag:s31], $0x80  }
0x8c: {  	[sflag:s31] =	ssyncset.done $0x0  }
0x8d: {  	[sflag:s31] =	ssyncadd.s32 $0xFFFFFF80  }
.LBB2_1:
0x8e: {  	[bflag:$0x0] =	sbarrier.arrive $0xFFFF  }
.LBB2_11:
0x8f: {  	_ =	sfence.sel $0x180000  }
0x90: {  	[bflag:$0x0] =	sbarrier.arrive $0xFFFF  }
0x91: {  	p0 =	sne.s32 s1, $0x0;
	_ =	strace $0x90000047  }
0x92: {  	s0 =	sadd.s32 @!p0 $0x100000, s0;
	[bflag:$0x2] =	sbarrier.arrive $0xFFFF  }
0x93: {  	[sflag:s0] =	ssyncadd.tile.s32 @!p0 $0x1;
	_ =	shalt  }
.LBB2_3:
.Ltmp6:
0x94: {  	(pc) =	sbr.rel .LBB2_7-.Ltmp6, $4  }
0x95: {  	_ = 	snop  }
0x96: {  	v8 =	vimm.f32 $0.0e+00;
	v7 =	vimm.f32 $0.0e+00  }
0x97: {  	v11 =	vimm.f32 $0.0e+00;
	v1 =	vimm.f32 $0.0e+00;
	v3 =	vimm.f32 $0.0e+00  }
0x98: {  	v4 =	vimm.f32 $0.0e+00;
	v5 =	vimm.f32 $0.0e+00;
	v6 =	vimm.f32 $0.0e+00  }
.LBB2_5:
.Ltmp7:
0x99: {  	(pc) =	sbr.rel .LBB2_7-.Ltmp7, $2  }
0x9a: {  	_ =	sdelay $0x2  }
0x9b: {  	v8 =	vimm.f32 $0.0e+00;
	v7 =	vimm.f32 $0.0e+00;
	v11 =	vimm.f32 $0.0e+00  }
.Lfunc_end2:
_tile_overlayer_lowered:
.L_overlay_start_2:
0x9c: {  	(tag) =	ssettag $0x2  }
0x9d: {  	s0 =	rddreg [dreg:$0x0];
	s2 =	stileid.u32  }
0x9e: {  	s1 =	rddreg [dreg:$0x1];
	p0 =	sne.s32 s2, $0x0  }
0x9f: {  	s3 =	rddreg [dreg:$0x2];
	[bflag:$0x3] =	sbarrier.arrive $0xFFFF;
	s2 =	simm.s32 @!p0 $0x1C04  }
0xa0: {  	[timem:s3], [sflag:s2] =	dma.local @!p0 [hbm:s0], s1  }
0xa1: {  	s0 =	simm.s32 @!p0 $0x4  }
0xa2: {  	_ =	swait.ge @!p0 [sflag:s0], s1  }
0xa3: {  	s1 =	ssub.s32 @!p0 $0x0, s1;
	[sflag:s0] =	ssyncset.done @!p0 $0x0  }
0xa4: {  	[sflag:s0] =	ssyncadd.s32 @!p0 s1  }
0xa5: {  	[bflag:$0x3] =	sbarrier.arrive $0xFFFF  }
0xa6: {  	_ =	shalt  }

</sc_bundles>
